<compile_context>
chip_gen: v7x
topology: tpu7x:2x2x1
jax: 0.10.2.dev20260603
libtpu: 0.0.44.dev20260713+nightly
codegen_flags: <defaults>
</compile_context>

<pallas_src>
import functools

import jax
import jax.numpy as jnp
from jax import lax
from jax.experimental import pallas as pl
from jax.experimental.pallas import tpu as pltpu
from jax.experimental.pallas import tpu_sc as plsc

_N = 1000
_D = 4096
_CHUNK_ROWS = 8
_NCHUNKS = _N // _CHUNK_ROWS
_NW = 32
_ITERS = -(-_NCHUNKS // _NW)

_mesh = plsc.VectorSubcoreMesh(core_axis_name="c", subcore_axis_name="s")


@functools.partial(
    pl.kernel,
    mesh=_mesh,
    out_type=jax.ShapeDtypeStruct((_N, _D), jnp.float32),
    scratch_types=[
        pltpu.VMEM((_CHUNK_ROWS, _D), jnp.float32),
        pltpu.VMEM((_CHUNK_ROWS, _D), jnp.float32),
        pltpu.VMEM((_CHUNK_ROWS, _D), jnp.float32),
        pltpu.SemaphoreType.DMA,
        pltpu.SemaphoreType.DMA,
        pltpu.SemaphoreType.DMA,
        pltpu.SemaphoreType.DMA,
        pltpu.SemaphoreType.DMA,
        pltpu.SemaphoreType.DMA,
    ],
)
def _copy_kernel(src_hbm, out_hbm, b0, b1, b2, si0, si1, si2, so0, so1, so2):
    wid = lax.axis_index("s") * 2 + lax.axis_index("c")
    bufs = (b0, b1, b2)
    sins = (si0, si1, si2)
    souts = (so0, so1, so2)

    def start_in(i):
        r = (wid + _NW * i) * _CHUNK_ROWS
        return pltpu.async_copy(
            src_hbm.at[pl.ds(r, _CHUNK_ROWS), :], bufs[i % 3], sins[i % 3])

    def start_out(i):
        r = (wid + _NW * i) * _CHUNK_ROWS
        return pltpu.async_copy(
            bufs[i % 3], out_hbm.at[pl.ds(r, _CHUNK_ROWS), :], souts[i % 3])

    h_in0 = start_in(0)
    h_in1 = start_in(1)
    h_in2 = start_in(2)
    h_in0.wait()
    h_out0 = start_out(0)
    h_in1.wait()
    h_out1 = start_out(1)
    h_in2.wait()
    h_out2 = start_out(2)
    h_out0.wait()

    @pl.when(wid + _NW * 3 < _NCHUNKS)
    def _():
        h_in3 = start_in(3)
        h_in3.wait()
        h_out3 = start_out(3)
        h_out3.wait()

    h_out1.wait()
    h_out2.wait()


def kernel(special_embeddings_weight):
    return _copy_kernel(special_embeddings_weight)

# --- scband reference (transcript-rebuilt; emitter-appended) ---
"""Pipeline reference for scband-special-token-embedding-32667521253718 (READ-ONLY COPY).

The authoritative reference and input builder live on the scoring server;
editing this copy changes nothing except your own understanding.
"""

import jax, jax.numpy as jnp
import numpy as np

NUM_SPECIAL_TOKENS = 1000
HIDDEN_SIZE = 4096

def setup_inputs(seed: int = 0) -> dict:
    key = jax.random.key(seed)
    table = jax.random.normal(key, (NUM_SPECIAL_TOKENS, HIDDEN_SIZE), dtype=jnp.float32)
    return {"special_embeddings_weight": table}

def reference(special_embeddings_weight):
    special_tokens = jnp.arange(NUM_SPECIAL_TOKENS, dtype=jnp.int32)
    special_embeddings = jnp.take(special_embeddings_weight, special_tokens, axis=0)
    return special_embeddings

if __name__ == "__main__":
    import jax
    _d = setup_inputs()
    print(jax.jit(kernel)(*tuple(_d.values())))

</pallas_src>

<mosaic_0001>
#map = affine_map<(d0, d1) -> (0, 0)>
module attributes {stable_mosaic.version = 14 : i64} {
  func.func @_copy_kernel(%arg0: i32, %arg1: i32, %arg2: memref<1000x4096xf32, #tpu.memory_space<hbm>>, %arg3: memref<1000x4096xf32, #tpu.memory_space<hbm>>, %arg4: memref<8x4096xf32, #tpu.memory_space<vmem>>, %arg5: memref<8x4096xf32, #tpu.memory_space<vmem>>, %arg6: memref<8x4096xf32, #tpu.memory_space<vmem>>, %arg7: memref<!tpu.dma_semaphore, #tpu.memory_space<semaphore_mem>>, %arg8: memref<!tpu.dma_semaphore, #tpu.memory_space<semaphore_mem>>, %arg9: memref<!tpu.dma_semaphore, #tpu.memory_space<semaphore_mem>>, %arg10: memref<!tpu.dma_semaphore, #tpu.memory_space<semaphore_mem>>, %arg11: memref<!tpu.dma_semaphore, #tpu.memory_space<semaphore_mem>>, %arg12: memref<!tpu.dma_semaphore, #tpu.memory_space<semaphore_mem>>) attributes {dimension_semantics = [#tpu.dimension_semantics<core_parallel>, #tpu.dimension_semantics<subcore_parallel>], iteration_bounds = array<i64: 2, 16>, scalar_prefetch = 0 : i64, scratch_operands = 9 : i64, tpu.core_type = #tpu.core_type<sc_vector_subcore>, window_params = [{transform_indices = #map}, {transform_indices = #map}]} {
    %mul3A = arith.constant 2 : i32
    %mul3A_0 = arith.muli %arg1, %mul3A : i32
    %add3A = arith.addi %mul3A_0, %arg0 : i32
    %add3A_1 = arith.constant 0 : i32
    %add3A_2 = arith.addi %add3A, %add3A_1 : i32
    %mul3A_3 = arith.constant 8 : i32
    %mul3A_4 = arith.muli %add3A_2, %mul3A_3 : i32
    %dma_start3A = arith.constant 0 : i32
    %dma_start3A_5 = tpu.memref_slice %arg2[%mul3A_4, %dma_start3A] : memref<1000x4096xf32, #tpu.memory_space<hbm>> -> memref<8x4096xf32, #tpu.memory_space<hbm>>
    %dma_start3A_6 = arith.constant 0 : i32
    %dma_start3A_7 = tpu.memref_slice %arg2[%mul3A_4, %dma_start3A_6] : memref<1000x4096xf32, #tpu.memory_space<hbm>> -> memref<8x4096xf32, #tpu.memory_space<hbm>>
    tpu.enqueue_dma source(%dma_start3A_7 : memref<8x4096xf32, #tpu.memory_space<hbm>>) target(%arg4 : memref<8x4096xf32, #tpu.memory_space<vmem>>) target_semaphore(%arg7 : memref<!tpu.dma_semaphore, #tpu.memory_space<semaphore_mem>>)
    %add3A_8 = arith.constant 32 : i32
    %add3A_9 = arith.addi %add3A, %add3A_8 : i32
    %mul3A_10 = arith.constant 8 : i32
    %mul3A_11 = arith.muli %add3A_9, %mul3A_10 : i32
    %dma_start3A_12 = arith.constant 0 : i32
    %dma_start3A_13 = tpu.memref_slice %arg2[%mul3A_11, %dma_start3A_12] : memref<1000x4096xf32, #tpu.memory_space<hbm>> -> memref<8x4096xf32, #tpu.memory_space<hbm>>
    %dma_start3A_14 = arith.constant 0 : i32
    %dma_start3A_15 = tpu.memref_slice %arg2[%mul3A_11, %dma_start3A_14] : memref<1000x4096xf32, #tpu.memory_space<hbm>> -> memref<8x4096xf32, #tpu.memory_space<hbm>>
    tpu.enqueue_dma source(%dma_start3A_15 : memref<8x4096xf32, #tpu.memory_space<hbm>>) target(%arg5 : memref<8x4096xf32, #tpu.memory_space<vmem>>) target_semaphore(%arg8 : memref<!tpu.dma_semaphore, #tpu.memory_space<semaphore_mem>>)
    %add3A_16 = arith.constant 64 : i32
    %add3A_17 = arith.addi %add3A, %add3A_16 : i32
    %mul3A_18 = arith.constant 8 : i32
    %mul3A_19 = arith.muli %add3A_17, %mul3A_18 : i32
    %dma_start3A_20 = arith.constant 0 : i32
    %dma_start3A_21 = tpu.memref_slice %arg2[%mul3A_19, %dma_start3A_20] : memref<1000x4096xf32, #tpu.memory_space<hbm>> -> memref<8x4096xf32, #tpu.memory_space<hbm>>
    %dma_start3A_22 = arith.constant 0 : i32
    %dma_start3A_23 = tpu.memref_slice %arg2[%mul3A_19, %dma_start3A_22] : memref<1000x4096xf32, #tpu.memory_space<hbm>> -> memref<8x4096xf32, #tpu.memory_space<hbm>>
    tpu.enqueue_dma source(%dma_start3A_23 : memref<8x4096xf32, #tpu.memory_space<hbm>>) target(%arg6 : memref<8x4096xf32, #tpu.memory_space<vmem>>) target_semaphore(%arg9 : memref<!tpu.dma_semaphore, #tpu.memory_space<semaphore_mem>>)
    %dma_wait3A = arith.constant 0 : i32
    %dma_wait3A_24 = tpu.memref_slice %arg2[%mul3A_4, %dma_wait3A] : memref<1000x4096xf32, #tpu.memory_space<hbm>> -> memref<8x4096xf32, #tpu.memory_space<hbm>>
    %dma_wait3A_25 = arith.constant 0 : i32
    %dma_wait3A_26 = tpu.memref_slice %arg2[%mul3A_4, %dma_wait3A_25] : memref<1000x4096xf32, #tpu.memory_space<hbm>> -> memref<8x4096xf32, #tpu.memory_space<hbm>>
    tpu.wait_dma2 semaphore(%arg7 : memref<!tpu.dma_semaphore, #tpu.memory_space<semaphore_mem>>) src(%dma_wait3A_26 : memref<8x4096xf32, #tpu.memory_space<hbm>>) dst(%arg4 : memref<8x4096xf32, #tpu.memory_space<vmem>>)
    %add3A_27 = arith.constant 0 : i32
    %add3A_28 = arith.addi %add3A, %add3A_27 : i32
    %mul3A_29 = arith.constant 8 : i32
    %mul3A_30 = arith.muli %add3A_28, %mul3A_29 : i32
    %dma_start3A_31 = arith.constant 0 : i32
    %dma_start3A_32 = tpu.memref_slice %arg3[%mul3A_30, %dma_start3A_31] : memref<1000x4096xf32, #tpu.memory_space<hbm>> -> memref<8x4096xf32, #tpu.memory_space<hbm>>
    %dma_start3A_33 = arith.constant 0 : i32
    %dma_start3A_34 = tpu.memref_slice %arg3[%mul3A_30, %dma_start3A_33] : memref<1000x4096xf32, #tpu.memory_space<hbm>> -> memref<8x4096xf32, #tpu.memory_space<hbm>>
    tpu.enqueue_dma source(%arg4 : memref<8x4096xf32, #tpu.memory_space<vmem>>) target(%dma_start3A_34 : memref<8x4096xf32, #tpu.memory_space<hbm>>) target_semaphore(%arg10 : memref<!tpu.dma_semaphore, #tpu.memory_space<semaphore_mem>>)
    %dma_wait3A_35 = arith.constant 0 : i32
    %dma_wait3A_36 = tpu.memref_slice %arg2[%mul3A_11, %dma_wait3A_35] : memref<1000x4096xf32, #tpu.memory_space<hbm>> -> memref<8x4096xf32, #tpu.memory_space<hbm>>
    %dma_wait3A_37 = arith.constant 0 : i32
    %dma_wait3A_38 = tpu.memref_slice %arg2[%mul3A_11, %dma_wait3A_37] : memref<1000x4096xf32, #tpu.memory_space<hbm>> -> memref<8x4096xf32, #tpu.memory_space<hbm>>
    tpu.wait_dma2 semaphore(%arg8 : memref<!tpu.dma_semaphore, #tpu.memory_space<semaphore_mem>>) src(%dma_wait3A_38 : memref<8x4096xf32, #tpu.memory_space<hbm>>) dst(%arg5 : memref<8x4096xf32, #tpu.memory_space<vmem>>)
    %add3A_39 = arith.constant 32 : i32
    %add3A_40 = arith.addi %add3A, %add3A_39 : i32
    %mul3A_41 = arith.constant 8 : i32
    %mul3A_42 = arith.muli %add3A_40, %mul3A_41 : i32
    %dma_start3A_43 = arith.constant 0 : i32
    %dma_start3A_44 = tpu.memref_slice %arg3[%mul3A_42, %dma_start3A_43] : memref<1000x4096xf32, #tpu.memory_space<hbm>> -> memref<8x4096xf32, #tpu.memory_space<hbm>>
    %dma_start3A_45 = arith.constant 0 : i32
    %dma_start3A_46 = tpu.memref_slice %arg3[%mul3A_42, %dma_start3A_45] : memref<1000x4096xf32, #tpu.memory_space<hbm>> -> memref<8x4096xf32, #tpu.memory_space<hbm>>
    tpu.enqueue_dma source(%arg5 : memref<8x4096xf32, #tpu.memory_space<vmem>>) target(%dma_start3A_46 : memref<8x4096xf32, #tpu.memory_space<hbm>>) target_semaphore(%arg11 : memref<!tpu.dma_semaphore, #tpu.memory_space<semaphore_mem>>)
    %dma_wait3A_47 = arith.constant 0 : i32
    %dma_wait3A_48 = tpu.memref_slice %arg2[%mul3A_19, %dma_wait3A_47] : memref<1000x4096xf32, #tpu.memory_space<hbm>> -> memref<8x4096xf32, #tpu.memory_space<hbm>>
    %dma_wait3A_49 = arith.constant 0 : i32
    %dma_wait3A_50 = tpu.memref_slice %arg2[%mul3A_19, %dma_wait3A_49] : memref<1000x4096xf32, #tpu.memory_space<hbm>> -> memref<8x4096xf32, #tpu.memory_space<hbm>>
    tpu.wait_dma2 semaphore(%arg9 : memref<!tpu.dma_semaphore, #tpu.memory_space<semaphore_mem>>) src(%dma_wait3A_50 : memref<8x4096xf32, #tpu.memory_space<hbm>>) dst(%arg6 : memref<8x4096xf32, #tpu.memory_space<vmem>>)
    %add3A_51 = arith.constant 64 : i32
    %add3A_52 = arith.addi %add3A, %add3A_51 : i32
    %mul3A_53 = arith.constant 8 : i32
    %mul3A_54 = arith.muli %add3A_52, %mul3A_53 : i32
    %dma_start3A_55 = arith.constant 0 : i32
    %dma_start3A_56 = tpu.memref_slice %arg3[%mul3A_54, %dma_start3A_55] : memref<1000x4096xf32, #tpu.memory_space<hbm>> -> memref<8x4096xf32, #tpu.memory_space<hbm>>
    %dma_start3A_57 = arith.constant 0 : i32
    %dma_start3A_58 = tpu.memref_slice %arg3[%mul3A_54, %dma_start3A_57] : memref<1000x4096xf32, #tpu.memory_space<hbm>> -> memref<8x4096xf32, #tpu.memory_space<hbm>>
    tpu.enqueue_dma source(%arg6 : memref<8x4096xf32, #tpu.memory_space<vmem>>) target(%dma_start3A_58 : memref<8x4096xf32, #tpu.memory_space<hbm>>) target_semaphore(%arg12 : memref<!tpu.dma_semaphore, #tpu.memory_space<semaphore_mem>>)
    %dma_wait3A_59 = arith.constant 0 : i32
    %dma_wait3A_60 = tpu.memref_slice %arg3[%mul3A_30, %dma_wait3A_59] : memref<1000x4096xf32, #tpu.memory_space<hbm>> -> memref<8x4096xf32, #tpu.memory_space<hbm>>
    %dma_wait3A_61 = arith.constant 0 : i32
    %dma_wait3A_62 = tpu.memref_slice %arg3[%mul3A_30, %dma_wait3A_61] : memref<1000x4096xf32, #tpu.memory_space<hbm>> -> memref<8x4096xf32, #tpu.memory_space<hbm>>
    tpu.wait_dma2 semaphore(%arg10 : memref<!tpu.dma_semaphore, #tpu.memory_space<semaphore_mem>>) src(%arg4 : memref<8x4096xf32, #tpu.memory_space<vmem>>) dst(%dma_wait3A_62 : memref<8x4096xf32, #tpu.memory_space<hbm>>)
    %add3A_63 = arith.constant 96 : i32
    %add3A_64 = arith.addi %add3A, %add3A_63 : i32
    %lt3A = arith.constant 125 : i32
    %lt3A_65 = arith.cmpi slt, %add3A_64, %lt3A : i32
    %convert_element_type3A = arith.extui %lt3A_65 : i1 to i32
    %cond3A = arith.constant 0 : i32
    %cond3A_66 = arith.cmpi ne, %convert_element_type3A, %cond3A : i32
    scf.if %cond3A_66 {
      %add3A_75 = arith.constant 96 : i32
      %add3A_76 = arith.addi %add3A, %add3A_75 : i32
      %mul3A_77 = arith.constant 8 : i32
      %mul3A_78 = arith.muli %add3A_76, %mul3A_77 : i32
      %dma_start3A_79 = arith.constant 0 : i32
      %dma_start3A_80 = tpu.memref_slice %arg2[%mul3A_78, %dma_start3A_79] : memref<1000x4096xf32, #tpu.memory_space<hbm>> -> memref<8x4096xf32, #tpu.memory_space<hbm>>
      %dma_start3A_81 = arith.constant 0 : i32
      %dma_start3A_82 = tpu.memref_slice %arg2[%mul3A_78, %dma_start3A_81] : memref<1000x4096xf32, #tpu.memory_space<hbm>> -> memref<8x4096xf32, #tpu.memory_space<hbm>>
      tpu.enqueue_dma source(%dma_start3A_82 : memref<8x4096xf32, #tpu.memory_space<hbm>>) target(%arg4 : memref<8x4096xf32, #tpu.memory_space<vmem>>) target_semaphore(%arg7 : memref<!tpu.dma_semaphore, #tpu.memory_space<semaphore_mem>>)
      %dma_wait3A_83 = arith.constant 0 : i32
      %dma_wait3A_84 = tpu.memref_slice %arg2[%mul3A_78, %dma_wait3A_83] : memref<1000x4096xf32, #tpu.memory_space<hbm>> -> memref<8x4096xf32, #tpu.memory_space<hbm>>
      %dma_wait3A_85 = arith.constant 0 : i32
      %dma_wait3A_86 = tpu.memref_slice %arg2[%mul3A_78, %dma_wait3A_85] : memref<1000x4096xf32, #tpu.memory_space<hbm>> -> memref<8x4096xf32, #tpu.memory_space<hbm>>
      tpu.wait_dma2 semaphore(%arg7 : memref<!tpu.dma_semaphore, #tpu.memory_space<semaphore_mem>>) src(%dma_wait3A_86 : memref<8x4096xf32, #tpu.memory_space<hbm>>) dst(%arg4 : memref<8x4096xf32, #tpu.memory_space<vmem>>)
      %add3A_87 = arith.constant 96 : i32
      %add3A_88 = arith.addi %add3A, %add3A_87 : i32
      %mul3A_89 = arith.constant 8 : i32
      %mul3A_90 = arith.muli %add3A_88, %mul3A_89 : i32
      %dma_start3A_91 = arith.constant 0 : i32
      %dma_start3A_92 = tpu.memref_slice %arg3[%mul3A_90, %dma_start3A_91] : memref<1000x4096xf32, #tpu.memory_space<hbm>> -> memref<8x4096xf32, #tpu.memory_space<hbm>>
      %dma_start3A_93 = arith.constant 0 : i32
      %dma_start3A_94 = tpu.memref_slice %arg3[%mul3A_90, %dma_start3A_93] : memref<1000x4096xf32, #tpu.memory_space<hbm>> -> memref<8x4096xf32, #tpu.memory_space<hbm>>
      tpu.enqueue_dma source(%arg4 : memref<8x4096xf32, #tpu.memory_space<vmem>>) target(%dma_start3A_94 : memref<8x4096xf32, #tpu.memory_space<hbm>>) target_semaphore(%arg10 : memref<!tpu.dma_semaphore, #tpu.memory_space<semaphore_mem>>)
      %dma_wait3A_95 = arith.constant 0 : i32
      %dma_wait3A_96 = tpu.memref_slice %arg3[%mul3A_90, %dma_wait3A_95] : memref<1000x4096xf32, #tpu.memory_space<hbm>> -> memref<8x4096xf32, #tpu.memory_space<hbm>>
      %dma_wait3A_97 = arith.constant 0 : i32
      %dma_wait3A_98 = tpu.memref_slice %arg3[%mul3A_90, %dma_wait3A_97] : memref<1000x4096xf32, #tpu.memory_space<hbm>> -> memref<8x4096xf32, #tpu.memory_space<hbm>>
      tpu.wait_dma2 semaphore(%arg10 : memref<!tpu.dma_semaphore, #tpu.memory_space<semaphore_mem>>) src(%arg4 : memref<8x4096xf32, #tpu.memory_space<vmem>>) dst(%dma_wait3A_98 : memref<8x4096xf32, #tpu.memory_space<hbm>>)
    } else {
    }
    %dma_wait3A_67 = arith.constant 0 : i32
    %dma_wait3A_68 = tpu.memref_slice %arg3[%mul3A_42, %dma_wait3A_67] : memref<1000x4096xf32, #tpu.memory_space<hbm>> -> memref<8x4096xf32, #tpu.memory_space<hbm>>
    %dma_wait3A_69 = arith.constant 0 : i32
    %dma_wait3A_70 = tpu.memref_slice %arg3[%mul3A_42, %dma_wait3A_69] : memref<1000x4096xf32, #tpu.memory_space<hbm>> -> memref<8x4096xf32, #tpu.memory_space<hbm>>
    tpu.wait_dma2 semaphore(%arg11 : memref<!tpu.dma_semaphore, #tpu.memory_space<semaphore_mem>>) src(%arg5 : memref<8x4096xf32, #tpu.memory_space<vmem>>) dst(%dma_wait3A_70 : memref<8x4096xf32, #tpu.memory_space<hbm>>)
    %dma_wait3A_71 = arith.constant 0 : i32
    %dma_wait3A_72 = tpu.memref_slice %arg3[%mul3A_54, %dma_wait3A_71] : memref<1000x4096xf32, #tpu.memory_space<hbm>> -> memref<8x4096xf32, #tpu.memory_space<hbm>>
    %dma_wait3A_73 = arith.constant 0 : i32
    %dma_wait3A_74 = tpu.memref_slice %arg3[%mul3A_54, %dma_wait3A_73] : memref<1000x4096xf32, #tpu.memory_space<hbm>> -> memref<8x4096xf32, #tpu.memory_space<hbm>>
    tpu.wait_dma2 semaphore(%arg12 : memref<!tpu.dma_semaphore, #tpu.memory_space<semaphore_mem>>) src(%arg6 : memref<8x4096xf32, #tpu.memory_space<vmem>>) dst(%dma_wait3A_74 : memref<8x4096xf32, #tpu.memory_space<hbm>>)
    return
  }
}

</mosaic_0001>

<sc_bundles>
// kernel: kernel.3.cloned.1.call-start
scs
__scs_entry_jumppad:
0x0: {  	(pc) =	sbr.rel $0x88, $3  }
0x1: {  	(tag) =	ssettag $0x0;
	lr =	simm.s32 $0x1  }
0x2: {  	[smem:$0x3FA0] =	sst lr;
	_ =	strace $0xD0000000  }
0x3: {  	_ = 	snop  }
0x4: {  	_ = 	snop  }
0x5: {  	_ = 	snop  }
0x6: {  	_ = 	snop  }
0x7: {  	_ = 	snop  }
__scs_overlays_trampoline_lowered:
0x8: {  	[smem:$0x3FAF] =	sst s0  }
0x9: {  	[smem:$0x3FB0] =	sst s1  }
0xa: {  	[smem:$0x3FB1] =	sst s2  }
0xb: {  	[smem:$0x3FB2] =	sst s3  }
0xc: {  	[smem:$0x3FB3] =	sst s4  }
0xd: {  	[smem:$0x3FB4] =	sst s5  }
0xe: {  	[smem:$0x3FB5] =	sst s6  }
0xf: {  	[smem:$0x3FB6] =	sst s7  }
0x10: {  	[smem:$0x3FB7] =	sst s8  }
0x11: {  	[smem:$0x3FB8] =	sst s9;
	s0 =	simm.s32 @!p0 $0x0  }
0x12: {  	s1 =	sld [smem:$0x3F9E];
	s0 =	simm.s32 @p0 $0x1  }
0x13: {  	[smem:$0x3FB9] =	sst s0;
	s0 =	simm.s32 @!p1 $0x0  }
0x14: {  	s2 =	sld [smem:$0x3F9D];
	s0 =	simm.s32 @p1 $0x1  }
0x15: {  	[smem:$0x3FBA] =	sst s0;
	s0 =	simm.s32 @!p2 $0x0  }
0x16: {  	s3 =	sld [smem:$0x3FDB];
	s0 =	simm.s32 @p2 $0x1  }
0x17: {  	s4 =	simm.s32 $0x1BF5;
	[smem:$0x3FBC] =	sst s0  }
0x18: {  	s0 =	sld [smem:$0x3F9F];
	_ =	swait.ge [sflag:s4], $0x0  }
0x19: {  	s7 =	sld [smem:$0x3FA0]  }
0x1a: {  	s8 =	sadd.s32 $0xFFFFE003, lr  }
0x1b: {  	s9 =	sadd.s32 $0xFFFFFEF7, lr;
	s5 =	simm.s32 $0xFFFFFFFF;
	p2 =	slt.u32 s8, $0xFFFFF086  }
0x1c: {  	p1 =	slt.u32 s9, $0xF7A;
	s5 =	simm.s32 @!p2 $0x0  }
0x1d: {  	s5 =	simm.s32 @p1 $0x1;
	p0 =	seq.s32 s7, s2  }
0x1e: {  	s7 =	smul.u32 @!p0 $0xF7A, s2;
	p2 =	seq.s32 @!p0 s5, $0x0  }
0x1f: {  	s9 =	smul.u32 $0xF7A, s1;
	s8 =	simm.s32 @!p0 $0x1BF5;
	p2 =	por !p2, p0  }
0x20: {  	[sflag:s8] =	ssyncset.s32 @!p0 $0xFFFFF086;
	s6 =	sadd.s32 @!p0 s3, s7;
	s7 =	simm.s32 @!p0 $0x108  }
0x21: {  	s3 =	sadd.s32 s3, s9;
	s6 =	sadd.s32 @!p0 $0x88, s6;
	s7 =	simm.s32 @p2 $0x1082  }
0x22: {  	[simem:s7], [sflag:s8] =	dma.local @!p0 [hbm:s6], $0xF7A  }
0x23: {  	s9 =	sor.u32 $0xD0000000, s2;
	s6 =	simm.s32 $0x108;
	_ =	swait.ge @!p0 [sflag:s8], $0x0  }
0x24: {  	s3 =	sadd.s32 $0x88, s3;
	s6 =	simm.s32 @!p1 $0x1082;
	[sflag:s4] =	ssyncset.s32 $0xFFFFF086  }
0x25: {  	[simem:s6], [sflag:s4] =	dma.local [hbm:s3], $0xF7A  }
0x26: {  	[smem:$0x3FA0] =	sst s1;
	(tag) =	ssettag s2;
	_ =	strace s9  }
0x27: {  	s1 =	sld [smem:$0x3FB0]  }
0x28: {  	s2 =	sld [smem:$0x3FB1]  }
0x29: {  	s4 =	sld [smem:$0x3FB3]  }
0x2a: {  	p0 =	seq.s32 s5, $0x0;
	s5 =	sld [smem:$0x3FB4]  }
0x2b: {  	s6 =	sld [smem:$0x3FB5]  }
0x2c: {  	s7 =	sld [smem:$0x3FB6]  }
0x2d: {  	s3 =	simm.s32 $0x108;
	s8 =	sld [smem:$0x3FB7]  }
0x2e: {  	s3 =	simm.s32 @!p0 $0x1082;
	s9 =	sld [smem:$0x3FB8]  }
0x2f: {  	lr =	sadd.s32 s0, s3;
	s0 =	sld [smem:$0x3FAF]  }
0x30: {  	s3 =	sld [smem:$0x3FB2]  }
0x31: {  	[smem:$0x3FBB] =	sst s10  }
0x32: {  	s10 =	sld [smem:$0x3FB9];
	_ =	sdelay $0x3  }
0x33: {  	p0 =	seq.s32 s10, $0x1;
	s10 =	sld [smem:$0x3FBB];
	_ =	sdelay $0x3  }
0x34: {  	[smem:$0x3FBB] =	sst s10  }
0x35: {  	s10 =	sld [smem:$0x3FBA];
	_ =	sdelay $0x3  }
0x36: {  	p1 =	seq.s32 s10, $0x1;
	s10 =	sld [smem:$0x3FBB];
	_ =	sdelay $0x3  }
0x37: {  	[smem:$0x3FBB] =	sst s10  }
0x38: {  	s10 =	sld [smem:$0x3FBC]  }
0x39: {  	_ = 	snop;
	(pc) =	sbr.ind lr, $3  }
0x3a: {  	_ = 	snop  }
0x3b: {  	_ = 	snop  }
0x3c: {  	p2 =	seq.s32 s10, $0x1;
	s10 =	sld [smem:$0x3FBB]  }
0x3d: {  	_ =	shalt  }
0x3e: {  	_ =	shalt  }
0x3f: {  	_ =	shalt  }
0x40: {  	_ =	shalt  }
0x41: {  	_ =	shalt  }
0x42: {  	_ =	shalt  }
0x43: {  	_ =	shalt  }
0x44: {  	_ =	shalt  }
0x45: {  	_ =	shalt  }
0x46: {  	_ =	shalt  }
0x47: {  	_ =	shalt  }
0x48: {  	_ =	shalt  }
0x49: {  	_ =	shalt  }
0x4a: {  	_ =	shalt  }
0x4b: {  	_ =	shalt  }
0x4c: {  	_ =	shalt  }
0x4d: {  	_ =	shalt  }
0x4e: {  	_ =	shalt  }
0x4f: {  	_ =	shalt  }
0x50: {  	_ =	shalt  }
0x51: {  	_ =	shalt  }
0x52: {  	_ =	shalt  }
0x53: {  	_ =	shalt  }
0x54: {  	_ =	shalt  }
0x55: {  	_ =	shalt  }
0x56: {  	_ =	shalt  }
0x57: {  	_ =	shalt  }
0x58: {  	_ =	shalt  }
0x59: {  	_ =	shalt  }
0x5a: {  	_ =	shalt  }
0x5b: {  	_ =	shalt  }
0x5c: {  	_ =	shalt  }
0x5d: {  	_ =	shalt  }
0x5e: {  	_ =	shalt  }
0x5f: {  	_ =	shalt  }
0x60: {  	_ =	shalt  }
0x61: {  	_ =	shalt  }
0x62: {  	_ =	shalt  }
0x63: {  	_ =	shalt  }
0x64: {  	_ =	shalt  }
0x65: {  	_ =	shalt  }
0x66: {  	_ =	shalt  }
0x67: {  	_ =	shalt  }
0x68: {  	_ =	shalt  }
0x69: {  	_ =	shalt  }
0x6a: {  	_ =	shalt  }
0x6b: {  	_ =	shalt  }
0x6c: {  	_ =	shalt  }
0x6d: {  	_ =	shalt  }
0x6e: {  	_ =	shalt  }
0x6f: {  	_ =	shalt  }
0x70: {  	_ =	shalt  }
0x71: {  	_ =	shalt  }
0x72: {  	_ =	shalt  }
0x73: {  	_ =	shalt  }
0x74: {  	_ =	shalt  }
0x75: {  	_ =	shalt  }
0x76: {  	_ =	shalt  }
0x77: {  	_ =	shalt  }
0x78: {  	_ =	shalt  }
0x79: {  	_ =	shalt  }
0x7a: {  	_ =	shalt  }
0x7b: {  	_ =	shalt  }
0x7c: {  	_ =	shalt  }
0x7d: {  	_ =	shalt  }
0x7e: {  	_ =	shalt  }
0x7f: {  	_ =	shalt  }
0x80: {  	_ =	shalt  }
0x81: {  	_ =	shalt  }
0x82: {  	_ =	shalt  }
0x83: {  	_ =	shalt  }
0x84: {  	_ =	shalt  }
0x85: {  	_ =	shalt  }
0x86: {  	_ =	shalt  }
0x87: {  	_ =	shalt  }
.Lfunc_end0:
.L_simem_size_0:
called_computation_lowered:
.L_overlay_start_0:
0x88: {  	s2 =	sld [smem:$0x3FD9]  }
0x89: {  	s3 =	sld [smem:$0x3FFE];
	_ =	sdelay $0x1  }
0x8a: {  	s1 =	srdreg.scid  }
0x8b: {  	s0 =	sand.u32 $0x1, s1  }
0x8c: {  	s18 =	sshll.u32 s0, $0xA;
	s2 =	sadd.s32 s3, s2  }
0x8d: {  	s2 =	sadd.s32 s2, s18  }
0x8e: {  	[smem:$0x3FC7] =	sst s2  }
0x8f: {  	_ = 	snop  }
0x90: {  	s2 =	sld [smem:$0x3FC9]  }
0x91: {  	s19 =	sld [smem:$0x3FD0];
	(tm) =	ssettm $0x1  }
0x92: {  	s4 =	sld [smem:$0x3FFB];
	_ =	sdelay $0x3  }
0x93: {  	_ =	strace s4  }
0x94: {  	s4 =	sld [smem:$0x3FFC];
	_ =	sdelay $0x3  }
0x95: {  	_ =	strace s4  }
0x96: {  	s4 =	sld [smem:$0x3FFD];
	_ =	sdelay $0x3  }
0x97: {  	_ =	strace s4  }
0x98: {  	_ =	strace $0x8FFFFFFF  }
0x99: {  	s20 =	sld [smem:$0x3FDB];
	_ =	sdelay $0x1  }
0x9a: {  	s5 =	simm.s32 $_scs_section_size  }
0x9b: {  	s6 =	simm.s32 $_size__tile_overlayer_lowered;
	s7 =	simm.s32 $_tile_overlayer_lowered  }
0x9c: {  	s23 =	simm.s32 $0x1BFF;
	s22 =	sshll.u32 s7, $0x1;
	s4 =	sadd.s32 s5, s20  }
0x9d: {  	s8 =	simm.s32 $0x0;
	s21 =	sshll.u32 s6, $0x1;
	s6 =	sadd.s32 s22, s4  }
0x9e: {  	[timem:s8], [sflag:s23] =	dma.local [hbm:s6], s21  }
0x9f: {  	_ =	swait.ge [sflag:s23], s21  }
0xa0: {  	s5 =	ssub.s32 $0x0, s21;
	[sflag:s23] =	ssyncset.done $0x0  }
0xa1: {  	[sflag:s23] =	ssyncadd.s32 s5;
	_ =	sdelay $0x1  }
0xa2: {  	s24 =	simm.s32 $0x1B8B  }
0xa3: {  	_ =	swait.ge [sflag:s24], $0x1  }
0xa4: {  	[sflag:s24] =	ssyncset.done $0x0  }
0xa5: {  	s25 =	simm.s32 $0x1B8E;
	[sflag:s24] =	ssyncadd.s32 $0xFFFFFFFF  }
0xa6: {  	s26 =	simm.s32 $execute0_lowered;
	[smem:$0x3FD2] =	sst s25  }
0xa7: {  	s5 =	sshll.u32 s26, $0x1;
	_ =	strace $0x80000046;
	[dreg:$0x1] =	wrdreg $0xFFFFFFFF  }
0xa8: {  	s28 =	simm.s32 $_size_execute0_lowered;
	s4 =	sadd.s32 s4, s5;
	[dreg:$0x0] =	wrdreg $0x0  }
0xa9: {  	s5 =	sshll.u32 s28, $0x1;
	[dreg:$0x2] =	wrdreg s4  }
0xaa: {  	[dreg:$0x3] =	wrdreg s5  }
0xab: {  	[dreg:$0x4] =	wrdreg $0xC0  }
0xac: {  	_ =	task [dreg:s8], $0x5FFFF  }
0xad: {  	[dreg:$0x1] =	wrdreg $0xFFFFFFFF  }
0xae: {  	[dreg:$0x0] =	wrdreg $0x60  }
0xaf: {  	[dreg:$0x2] =	wrdreg s2  }
0xb0: {  	[dreg:$0x3] =	wrdreg s19  }
0xb1: {  	[dreg:$0x4] =	wrdreg $0x9  }
0xb2: {  	_ =	task.clear_ibuf [dreg:s8], $0x5FFFF;
	_ =	strace $0x90000046  }
0xb3: {  	s29 =	simm.s32 $0x9;
	_ =	strace $0x80000048  }
0xb4: {  	_ =	swait.ge [sflag:s29], $0x1  }
0xb5: {  	[sflag:s29] =	ssyncadd.s32 $0xFFFFFFFF  }
0xb6: {  	_ =	strace $0x90000048  }
0xb7: {  	_ =	sfence  }
0xb8: {  	s30 =	sld [smem:$0x0];
	_ =	sdelay $0x2  }
0xb9: {  	s31 =	sshll.u32 s1, $0xD;
	s1 =	sshrl.u32 s1, $0x2  }
0xba: {  	s3 =	sand.u32 $0x4000, s31;
	s1 =	sadd.s32 s1, s30  }
0xbb: {  	s0 =	sor.u32 s3, s0;
	s1 =	sshll.u32 s1, $0x11  }
0xbc: {  	s0 =	sor.u32 s1, s0  }
0xbd: {  	s0 =	sadd.s32 $0x8F2B, s0  }
0xbe: {  	[sflag:s0] =	ssyncadd.remote.s32 $0x1  }
0xbf: {  	_ =	sfence.sel $0xFFFF  }
0xc0: {  	[dreg:$0x0] =	wrdreg $0xFFFFFFFF;
	(pc) =	sbr.abs _section_cstart, $3  }
0xc1: {  	[dreg:$0x1] =	wrdreg $0xFFFFFFFF  }
0xc2: {  	_ =	task.clear_ibuf [dreg:s8], $0x2FFFF;
	_ =	strace $0x9FFFFFFF  }
0xc3: {  	(tm) =	ssettm $0x7FFFFFFF  }
tec
execute0_lowered:
.L_overlay_start_1:
0x0: {  	(tag) =	ssettag $0x1  }
0x1: {  	s15 =	rddreg [dreg:$0x0]  }
0x2: {  	s1 =	srdreg.scid;
	s0 =	stileid.u32  }
0x3: {  	s18 =	rddreg [dreg:$0x1];
	s20 =	sand.u32 $0x1, s1;
	s3 =	sshll.u32 s0, $0x1  }
0x4: {  	s2 =	simm.s32 $0x0;
	s1 =	rddreg [dreg:$0x2];
	s16 =	sor.u32 s20, s3  }
0x5: {  	[smem:$0x7FF] =	sst s2;
	s17 =	sshll.u32 s16, $0xC  }
0x6: {  	_ =	strace $0x80000047;
	s3 =	sadd.s32 s15, s17;
	s11 =	sor.u32 $0x20000, s17  }
0x7: {  	[tilespmem:s2], [sflag:$0x1] =	stream.linear.gather [hbm4b:s3+s2], $0x8000, $0x38;
	[tilespmem:$0x18000] =	vst v63  }
0x8: {  	s5 =	simm.s32 $0x8000;
	s13 =	sor.u32 $0x40000, s17;
	s4 =	sadd.s32 s15, s11  }
0x9: {  	[tilespmem:s5], [sflag:$0x2] =	stream.linear.gather [hbm4b:s4+s2], $0x8000, $0x38;
	[tilespmem:$0x18000] =	vst v63  }
0xa: {  	s7 =	simm.s32 $0x10000;
	s8 =	simm.s32 $0x1;
	s6 =	sadd.s32 s15, s13  }
0xb: {  	[tilespmem:s7], [sflag:$0x3] =	stream.linear.gather [hbm4b:s6+s2], $0x8000, $0x38;
	[tilespmem:$0x18000] =	vst v63  }
0xc: {  	_ =	swait.ge [sflag:s8], $0x8000  }
0xd: {  	[sflag:s8] =	ssyncset.done $0x0  }
0xe: {  	s10 =	simm.s32 $0x2;
	s9 =	sadd.s32 s18, s17;
	[sflag:s8] =	ssyncadd.s32 $0xFFFF8000  }
0xf: {  	[hbm4b:s9+s2] =	stream.linear.scatter [tilespmem:s2], [sflag:$0x4], $0x8000, $0x38;
	[tilespmem:$0x18000] =	vst v63  }
0x10: {  	_ =	swait.ge [sflag:s10], $0x8000  }
0x11: {  	[sflag:s10] =	ssyncset.done $0x0  }
0x12: {  	s12 =	simm.s32 $0x3;
	s11 =	sadd.s32 s18, s11;
	[sflag:s10] =	ssyncadd.s32 $0xFFFF8000  }
0x13: {  	[hbm4b:s11+s2] =	stream.linear.scatter [tilespmem:s5], [sflag:$0x5], $0x8000, $0x38;
	[tilespmem:$0x18000] =	vst v63  }
0x14: {  	_ =	swait.ge [sflag:s12], $0x8000  }
0x15: {  	[sflag:s12] =	ssyncset.done $0x0  }
0x16: {  	s14 =	simm.s32 $0x4;
	s13 =	sadd.s32 s18, s13;
	[sflag:s12] =	ssyncadd.s32 $0xFFFF8000  }
0x17: {  	[hbm4b:s13+s2] =	stream.linear.scatter [tilespmem:s7], [sflag:$0x6], $0x8000, $0x38;
	[tilespmem:$0x18000] =	vst v63  }
0x18: {  	s21 =	ssub.s32 $0x2, s20;
	p0 =	sgt.u32 s16, $0x1C;
	_ =	swait.ge [sflag:s14], $0x8000  }
0x19: {  	s19 =	sor.u32 $0x60000, s17;
	s16 =	simm.s32 @!p0 $0x0;
	[sflag:s14] =	ssyncset.done $0x0  }
0x1a: {  	s17 =	simm.s32 @!p0 $0x1;
	s15 =	sadd.s32 s15, s19;
	[sflag:s14] =	ssyncadd.s32 $0xFFFF8000  }
0x1b: {  	[tilespmem:s16], [sflag:$0x1] =	stream.linear.gather @!p0 [hbm4b:s15+s16], $0x8000, $0x38;
	[tilespmem:$0x18000] =	vst v63  }
0x1c: {  	s22 =	sshrl.u32 s21, $0x1;
	_ =	swait.ge @!p0 [sflag:s17], $0x8000  }
0x1d: {  	s21 =	ssub.s32 s21, s22;
	[sflag:s17] =	ssyncset.done @!p0 $0x0  }
0x1e: {  	s18 =	sadd.s32 s18, s19;
	s19 =	simm.s32 @!p0 $0x4;
	[sflag:s17] =	ssyncadd.s32 @!p0 $0xFFFF8000  }
0x1f: {  	[hbm4b:s18+s16] =	stream.linear.scatter @!p0 [tilespmem:s16], [sflag:$0x4], $0x8000, $0x38;
	[tilespmem:$0x18000] =	vst v63  }
0x20: {  	s22 =	smax.u32 s21, $0x1;
	_ =	swait.ge @!p0 [sflag:s19], $0x8000  }
0x21: {  	s22 =	sadd.s32 $0xFFFFFFFF, s22;
	[sflag:s19] =	ssyncset.done @!p0 $0x0  }
0x22: {  	s20 =	simm.s32 $0x5;
	p1 =	sne.s32 s22, $0x0;
	[sflag:s19] =	ssyncadd.s32 @!p0 $0xFFFF8000  }
.Ltmp0:
0x23: {  	_ =	swait.ge [sflag:s20], $0x8000;
	(pc) =	sbr.rel @!p1 .LBB2_2-.Ltmp0, $4  }
0x24: {  	[sflag:s20] =	ssyncset.done $0x0  }
0x25: {  	s21 =	simm.s32 $0x6;
	[sflag:s20] =	ssyncadd.s32 $0xFFFF8000  }
0x26: {  	_ =	swait.ge [sflag:s21], $0x8000  }
0x27: {  	[sflag:s21] =	ssyncset.done $0x0  }
.LBB2_1:
0x28: {  	s22 =	sadd.s32 $0xFFFFFFFF, s22;
	[sflag:s21] =	ssyncadd.s32 $0xFFFF8000  }
0x29: {  	[tilespmem:s2], [sflag:$0x1] =	stream.linear.gather [hbm4b:s3+s2], $0x8000, $0x38;
	[tilespmem:$0x18000] =	vst v63  }
0x2a: {  	p1 =	sne.s32 s22, $0x0  }
0x2b: {  	[tilespmem:s5], [sflag:$0x2] =	stream.linear.gather [hbm4b:s4+s2], $0x8000, $0x38;
	[tilespmem:$0x18000] =	vst v63  }
0x2c: {  	_ = 	snop  }
0x2d: {  	[tilespmem:s7], [sflag:$0x3] =	stream.linear.gather [hbm4b:s6+s2], $0x8000, $0x38;
	[tilespmem:$0x18000] =	vst v63  }
0x2e: {  	_ =	swait.ge [sflag:s8], $0x8000  }
0x2f: {  	[sflag:s8] =	ssyncset.done $0x0  }
0x30: {  	[sflag:s8] =	ssyncadd.s32 $0xFFFF8000  }
0x31: {  	[hbm4b:s9+s2] =	stream.linear.scatter [tilespmem:s2], [sflag:$0x4], $0x8000, $0x38;
	[tilespmem:$0x18000] =	vst v63  }
0x32: {  	_ =	swait.ge [sflag:s10], $0x8000  }
0x33: {  	[sflag:s10] =	ssyncset.done $0x0  }
0x34: {  	[sflag:s10] =	ssyncadd.s32 $0xFFFF8000  }
0x35: {  	[hbm4b:s11+s2] =	stream.linear.scatter [tilespmem:s5], [sflag:$0x5], $0x8000, $0x38;
	[tilespmem:$0x18000] =	vst v63  }
0x36: {  	_ =	swait.ge [sflag:s12], $0x8000  }
0x37: {  	[sflag:s12] =	ssyncset.done $0x0  }
0x38: {  	[sflag:s12] =	ssyncadd.s32 $0xFFFF8000  }
0x39: {  	[hbm4b:s13+s2] =	stream.linear.scatter [tilespmem:s7], [sflag:$0x6], $0x8000, $0x38;
	[tilespmem:$0x18000] =	vst v63  }
0x3a: {  	_ =	swait.ge [sflag:s14], $0x8000  }
0x3b: {  	[sflag:s14] =	ssyncset.done $0x0  }
0x3c: {  	[sflag:s14] =	ssyncadd.s32 $0xFFFF8000  }
0x3d: {  	[tilespmem:s16], [sflag:$0x1] =	stream.linear.gather @!p0 [hbm4b:s15+s16], $0x8000, $0x38;
	[tilespmem:$0x18000] =	vst v63  }
0x3e: {  	_ =	swait.ge @!p0 [sflag:s17], $0x8000  }
0x3f: {  	[sflag:s17] =	ssyncset.done @!p0 $0x0  }
0x40: {  	[sflag:s17] =	ssyncadd.s32 @!p0 $0xFFFF8000  }
0x41: {  	[hbm4b:s18+s16] =	stream.linear.scatter @!p0 [tilespmem:s16], [sflag:$0x4], $0x8000, $0x38;
	[tilespmem:$0x18000] =	vst v63  }
0x42: {  	_ =	swait.ge @!p0 [sflag:s19], $0x8000  }
0x43: {  	[sflag:s19] =	ssyncset.done @!p0 $0x0  }
0x44: {  	[sflag:s19] =	ssyncadd.s32 @!p0 $0xFFFF8000  }
.Ltmp1:
0x45: {  	_ =	swait.ge [sflag:s20], $0x8000;
	(pc) =	sbr.rel @p1 .LBB2_1-.Ltmp1, $4  }
0x46: {  	[sflag:s20] =	ssyncset.done $0x0  }
0x47: {  	[sflag:s20] =	ssyncadd.s32 $0xFFFF8000  }
0x48: {  	_ =	swait.ge [sflag:s21], $0x8000  }
0x49: {  	[sflag:s21] =	ssyncset.done $0x0  }
.LBB2_2:
0x4a: {  	[sflag:s21] =	ssyncadd.s32 $0xFFFF8000  }
0x4b: {  	_ =	sfence.sel $0x180000  }
0x4c: {  	[bflag:$0x0] =	sbarrier.arrive $0xFFFF  }
0x4d: {  	p0 =	sne.s32 s0, $0x0;
	_ =	strace $0x90000047  }
0x4e: {  	s0 =	sadd.s32 @!p0 $0x100000, s1;
	[bflag:$0x2] =	sbarrier.arrive $0xFFFF  }
0x4f: {  	[sflag:s0] =	ssyncadd.tile.s32 @!p0 $0x1;
	_ =	shalt  }
.Lfunc_end2:
_tile_overlayer_lowered:
.L_overlay_start_2:
0x50: {  	(tag) =	ssettag $0x2  }
0x51: {  	s0 =	rddreg [dreg:$0x0];
	s2 =	stileid.u32  }
0x52: {  	s1 =	rddreg [dreg:$0x1];
	p0 =	sne.s32 s2, $0x0  }
0x53: {  	s3 =	rddreg [dreg:$0x2];
	[bflag:$0x3] =	sbarrier.arrive $0xFFFF;
	s2 =	simm.s32 @!p0 $0x1C07  }
0x54: {  	[timem:s3], [sflag:s2] =	dma.local @!p0 [hbm:s0], s1  }
0x55: {  	s0 =	simm.s32 @!p0 $0x7  }
0x56: {  	_ =	swait.ge @!p0 [sflag:s0], s1  }
0x57: {  	s1 =	ssub.s32 @!p0 $0x0, s1;
	[sflag:s0] =	ssyncset.done @!p0 $0x0  }
0x58: {  	[sflag:s0] =	ssyncadd.s32 @!p0 s1  }
0x59: {  	[bflag:$0x3] =	sbarrier.arrive $0xFFFF  }
0x5a: {  	_ =	shalt  }

</sc_bundles>
